<compile_context>
chip_gen: v7x
topology: tpu7x:2x2x1
jax: 0.10.2.dev20260603
libtpu: 0.0.44.dev20260713+nightly
codegen_flags: <defaults>
</compile_context>

<pallas_src>
import functools

import jax
import jax.numpy as jnp
from jax import lax
from jax.experimental import pallas as pl
from jax.experimental.pallas import tpu as pltpu
from jax.experimental.pallas import tpu_sc as plsc

_D = 64
_DP = 128
_CHUNK = 128
_NC = 2
_NS = 16
_NW = _NC * _NS
_NB = 4


def _build_gather(nchunks, nrows):
    mesh = plsc.VectorSubcoreMesh(core_axis_name="c", subcore_axis_name="s")

    @functools.partial(
        pl.kernel,
        mesh=mesh,
        compiler_params=pltpu.CompilerParams(
            needs_layout_passes=False, use_tc_tiling_on_sc=False),
        out_type=jax.ShapeDtypeStruct((nrows, _DP), jnp.float32),
        scratch_types=[
            pltpu.VMEM((nchunks, _CHUNK), jnp.int32),
        ] + [pltpu.VMEM((_CHUNK, _D), jnp.float32)] * _NB
        + [pltpu.SemaphoreType.DMA] * (2 * _NB),
    )
    def k(idx_hbm, table_hbm, out_hbm, idx_v, *bufs_sems):
        bufs = bufs_sems[:_NB]
        gsems = bufs_sems[_NB:2 * _NB]
        ssems = bufs_sems[2 * _NB:]
        wid = lax.axis_index("s") * _NC + lax.axis_index("c")
        row0 = wid * (nchunks * _CHUNK)
        pltpu.sync_copy(idx_hbm.at[wid], idx_v)

        def dst(j):
            return out_hbm.at[pl.ds(row0 + j * _CHUNK, _CHUNK), pl.ds(0, _D)]

        def issue_gather(j, u):
            pltpu.async_copy(table_hbm.at[idx_v.at[j]], bufs[u], gsems[u])

        def wait_gather(j, u):
            pltpu.make_async_copy(
                table_hbm.at[idx_v.at[j]], bufs[u], gsems[u]).wait()

        def issue_scatter(j, u):
            pltpu.async_copy(bufs[u], dst(j), ssems[u])

        def wait_scatter(j, u):
            pltpu.make_async_copy(bufs[u], dst(j), ssems[u]).wait()

        def body(t, c):
            for u in range(_NB):
                @pl.when(t > 0)
                def _():
                    wait_scatter(_NB * (t - 1) + u, u)

                issue_gather(_NB * t + u, u)
            for u in range(_NB):
                wait_gather(_NB * t + u, u)
                issue_scatter(_NB * t + u, u)
            return c

        lax.fori_loop(0, nchunks // _NB, body, 0)
        for u in range(_NB):
            wait_scatter(nchunks - _NB + u, u)

    return k


_RB = 3200


def _ln_block(x_ref, pos_ref, g_ref, b_ref, o_ref):
    x = x_ref[...][:, :_D] + pos_ref[...]
    m = jnp.mean(x, axis=1, keepdims=True)
    c = x - m
    v = jnp.mean(c * c, axis=1, keepdims=True)
    y = c * lax.rsqrt(v + 1e-5) * g_ref[...] + b_ref[...]
    o_ref[...] = y.reshape(_RB // 200, 200, _D)


def _ln_apply(x2, pos_t, gamma, beta, batch, seq_len):
    nrows = x2.shape[0]
    grid = nrows // _RB
    return pl.pallas_call(
        _ln_block,
        grid=(grid,),
        in_specs=[
            pl.BlockSpec((_RB, _DP), lambda i: (i, 0)),
            pl.BlockSpec((_RB, _D), lambda i: (0, 0)),
            pl.BlockSpec((1, _D), lambda i: (0, 0)),
            pl.BlockSpec((1, _D), lambda i: (0, 0)),
        ],
        out_specs=pl.BlockSpec(
            (_RB // 200, 200, _D), lambda i: (i, 0, 0)),
        out_shape=jax.ShapeDtypeStruct((batch, seq_len, _D), jnp.float32),
    )(x2, pos_t, gamma, beta)


def kernel(token_ids, token_table, pos_table, gamma, beta):
    B, L = token_ids.shape
    V, D = token_table.shape
    assert D == _D and pos_table.shape == (L, D)
    total = B * L
    assert total % (_NW * _CHUNK) == 0 and _RB % L == 0
    nchunks = total // (_NW * _CHUNK)
    idx3 = token_ids.astype(jnp.int32).reshape(_NW, nchunks, _CHUNK)
    x2 = _build_gather(nchunks, total)(idx3, token_table.astype(jnp.float32))
    pos_t = jnp.tile(pos_table.astype(jnp.float32), (_RB // L, 1))
    return _ln_apply(
        x2, pos_t,
        gamma.astype(jnp.float32).reshape(1, _D),
        beta.astype(jnp.float32).reshape(1, _D),
        B, L)

# --- scband reference (transcript-rebuilt; emitter-appended) ---
"""Pipeline reference for scband-text-embedding-43087111914024 (READ-ONLY COPY).

The authoritative reference and input builder live on the scoring server;
editing this copy changes nothing except your own understanding.
"""

import jax, jax.numpy as jnp
import numpy as np

VOCAB = 1000000
D_MODEL = 64
MAX_SEQ = 200
B = 4096
L = 200


def setup_inputs(seed: int = 0) -> dict:
    key = jax.random.key(seed)
    k1, k2, k3 = jax.random.split(key, 3)
    token_ids = jax.random.randint(k1, (B, L), 0, VOCAB, dtype=jnp.int64 if jax.config.jax_enable_x64 else jnp.int32)
    token_table = jax.random.normal(k2, (VOCAB, D_MODEL), dtype=jnp.float32) * 0.02
    pos_table = jax.random.normal(k3, (MAX_SEQ, D_MODEL), dtype=jnp.float32) * 0.02
    gamma = jnp.ones((D_MODEL,), dtype=jnp.float32)
    beta = jnp.zeros((D_MODEL,), dtype=jnp.float32)
    return {"token_ids": token_ids, "token_table": token_table, "pos_table": pos_table, "gamma": gamma, "beta": beta}


def _layer_norm(x, gamma, beta, eps=1e-5):
    mean = jnp.mean(x, axis=-1, keepdims=True)
    var = jnp.mean(jnp.square(x - mean), axis=-1, keepdims=True)
    return (x - mean) / jnp.sqrt(var + eps) * gamma + beta


def reference(token_ids, token_table, pos_table, gamma, beta):
    Bx, Lx = token_ids.shape
    max_pos = pos_table.shape[0]
    positions = jnp.clip(jnp.arange(Lx), 0, max_pos - 1)
    tok_emb = jnp.take(token_table, token_ids, axis=0)           # [B, L, d]
    pos_emb = jnp.take(pos_table, positions, axis=0)[None, :, :]  # [1, L, d]
    x = tok_emb + pos_emb
    x = _layer_norm(x, gamma, beta)
    # dropout is identity in eval mode
    return x

if __name__ == "__main__":
    import jax
    _d = setup_inputs()
    print(jax.jit(kernel)(*tuple(_d.values())))

</pallas_src>

<mosaic_0001>
#map = affine_map<(d0, d1) -> (0, 0, 0)>
#map1 = affine_map<(d0, d1) -> (0, 0)>
module attributes {stable_mosaic.version = 14 : i64} {
  func.func @k(%arg0: i32, %arg1: i32, %arg2: memref<32x200x128xi32, #tpu.memory_space<hbm>>, %arg3: memref<1000000x64xf32, #tpu.memory_space<hbm>>, %arg4: memref<819200x128xf32, #tpu.memory_space<hbm>>, %arg5: memref<200x128xi32, #tpu.memory_space<vmem>>, %arg6: memref<128x64xf32, #tpu.memory_space<vmem>>, %arg7: memref<128x64xf32, #tpu.memory_space<vmem>>, %arg8: memref<128x64xf32, #tpu.memory_space<vmem>>, %arg9: memref<128x64xf32, #tpu.memory_space<vmem>>, %arg10: memref<!tpu.dma_semaphore, #tpu.memory_space<semaphore_mem>>, %arg11: memref<!tpu.dma_semaphore, #tpu.memory_space<semaphore_mem>>, %arg12: memref<!tpu.dma_semaphore, #tpu.memory_space<semaphore_mem>>, %arg13: memref<!tpu.dma_semaphore, #tpu.memory_space<semaphore_mem>>, %arg14: memref<!tpu.dma_semaphore, #tpu.memory_space<semaphore_mem>>, %arg15: memref<!tpu.dma_semaphore, #tpu.memory_space<semaphore_mem>>, %arg16: memref<!tpu.dma_semaphore, #tpu.memory_space<semaphore_mem>>, %arg17: memref<!tpu.dma_semaphore, #tpu.memory_space<semaphore_mem>>) attributes {dimension_semantics = [#tpu.dimension_semantics<core_parallel>, #tpu.dimension_semantics<subcore_parallel>], iteration_bounds = array<i64: 2, 16>, scalar_prefetch = 0 : i64, scratch_operands = 13 : i64, tpu.core_type = #tpu.core_type<sc_vector_subcore>, window_params = [{transform_indices = #map}, {transform_indices = #map1}, {transform_indices = #map1}]} {
    %mul3A = arith.constant 2 : i32
    %mul3A_0 = arith.muli %arg1, %mul3A : i32
    %add3A = arith.addi %mul3A_0, %arg0 : i32
    %mul3A_1 = arith.constant 25600 : i32
    %mul3A_2 = arith.muli %add3A, %mul3A_1 : i32
    "tpu.region"() ({
      %run_scoped3A = tpu.sem_alloc : memref<!tpu.dma_semaphore, #tpu.memory_space<semaphore_mem>>
      %dma_start3A = arith.constant 0 : i32
      %dma_start3A_31 = arith.constant 0 : i32
      %dma_start3A_32 = tpu.memref_slice %arg2[%add3A, %dma_start3A, %dma_start3A_31] : memref<32x200x128xi32, #tpu.memory_space<hbm>> -> memref<1x200x128xi32, #tpu.memory_space<hbm>>
      %dma_start3A_33 = tpu.memref_squeeze %dma_start3A_32 : memref<1x200x128xi32, #tpu.memory_space<hbm>> -> memref<200x128xi32, #tpu.memory_space<hbm>>
      %dma_start3A_34 = arith.constant 0 : i32
      %dma_start3A_35 = arith.constant 0 : i32
      %dma_start3A_36 = tpu.memref_slice %arg2[%add3A, %dma_start3A_34, %dma_start3A_35] : memref<32x200x128xi32, #tpu.memory_space<hbm>> -> memref<1x200x128xi32, #tpu.memory_space<hbm>>
      %dma_start3A_37 = tpu.memref_squeeze %dma_start3A_36 : memref<1x200x128xi32, #tpu.memory_space<hbm>> -> memref<200x128xi32, #tpu.memory_space<hbm>>
      tpu.enqueue_dma source(%dma_start3A_37 : memref<200x128xi32, #tpu.memory_space<hbm>>) target(%arg5 : memref<200x128xi32, #tpu.memory_space<vmem>>) target_semaphore(%run_scoped3A : memref<!tpu.dma_semaphore, #tpu.memory_space<semaphore_mem>>)
      %dma_wait3A_38 = arith.constant 0 : i32
      %dma_wait3A_39 = arith.constant 0 : i32
      %dma_wait3A_40 = tpu.memref_slice %arg2[%add3A, %dma_wait3A_38, %dma_wait3A_39] : memref<32x200x128xi32, #tpu.memory_space<hbm>> -> memref<1x200x128xi32, #tpu.memory_space<hbm>>
      %dma_wait3A_41 = tpu.memref_squeeze %dma_wait3A_40 : memref<1x200x128xi32, #tpu.memory_space<hbm>> -> memref<200x128xi32, #tpu.memory_space<hbm>>
      %dma_wait3A_42 = arith.constant 0 : i32
      %dma_wait3A_43 = arith.constant 0 : i32
      %dma_wait3A_44 = tpu.memref_slice %arg2[%add3A, %dma_wait3A_42, %dma_wait3A_43] : memref<32x200x128xi32, #tpu.memory_space<hbm>> -> memref<1x200x128xi32, #tpu.memory_space<hbm>>
      %dma_wait3A_45 = tpu.memref_squeeze %dma_wait3A_44 : memref<1x200x128xi32, #tpu.memory_space<hbm>> -> memref<200x128xi32, #tpu.memory_space<hbm>>
      tpu.wait_dma2 semaphore(%run_scoped3A : memref<!tpu.dma_semaphore, #tpu.memory_space<semaphore_mem>>) src(%dma_wait3A_45 : memref<200x128xi32, #tpu.memory_space<hbm>>) dst(%arg5 : memref<200x128xi32, #tpu.memory_space<vmem>>)
      tpu.yield
    }) : () -> ()
    %scan3A = arith.constant 0 : i32
    %scan3A_3 = arith.constant 0 : i32
    %scan3A_4 = arith.constant 50 : i32
    %scan3A_5 = arith.addi %scan3A_3, %scan3A_4 : i32
    %scan3A_6 = arith.constant 1 : i32
    scf.for %scan3A_31 = %scan3A_3 to %scan3A_5 step %scan3A_6  : i32 {
      %gt3A = arith.constant 0 : i32
      %gt3A_32 = arith.cmpi sgt, %scan3A_31, %gt3A : i32
      %convert_element_type3A = arith.extui %gt3A_32 : i1 to i32
      %cond3A = arith.constant 0 : i32
      %cond3A_33 = arith.cmpi ne, %convert_element_type3A, %cond3A : i32
      scf.if %cond3A_33 {
        %sub3A = arith.constant 1 : i32
        %sub3A_172 = arith.subi %scan3A_31, %sub3A : i32
        %mul3A_173 = arith.constant 4 : i32
        %mul3A_174 = arith.muli %mul3A_173, %sub3A_172 : i32
        %add3A_175 = arith.constant 0 : i32
        %add3A_176 = arith.addi %mul3A_174, %add3A_175 : i32
        %mul3A_177 = arith.constant 128 : i32
        %mul3A_178 = arith.muli %add3A_176, %mul3A_177 : i32
        %add3A_179 = arith.addi %mul3A_2, %mul3A_178 : i32
        %dma_wait3A_180 = arith.constant 0 : i32
        %dma_wait3A_181 = tpu.memref_slice %arg4[%add3A_179, %dma_wait3A_180] : memref<819200x128xf32, #tpu.memory_space<hbm>> -> memref<128x64xf32, #tpu.memory_space<hbm>>
        %dma_wait3A_182 = arith.constant 0 : i32
        %dma_wait3A_183 = tpu.memref_slice %arg4[%add3A_179, %dma_wait3A_182] : memref<819200x128xf32, #tpu.memory_space<hbm>> -> memref<128x64xf32, #tpu.memory_space<hbm>>
        tpu.wait_dma2 semaphore(%arg14 : memref<!tpu.dma_semaphore, #tpu.memory_space<semaphore_mem>>) src(%arg6 : memref<128x64xf32, #tpu.memory_space<vmem>>) dst(%dma_wait3A_183 : memref<128x64xf32, #tpu.memory_space<hbm>>)
      } else {
      }
      %mul3A_34 = arith.constant 4 : i32
      %mul3A_35 = arith.muli %mul3A_34, %scan3A_31 : i32
      %add3A_36 = arith.constant 0 : i32
      %add3A_37 = arith.addi %mul3A_35, %add3A_36 : i32
      %dma_start3A = arith.constant 0 : i32
      %dma_start3A_38 = tpu.memref_slice %arg5[%add3A_37, %dma_start3A] : memref<200x128xi32, #tpu.memory_space<vmem>> -> memref<1x128xi32, #tpu.memory_space<vmem>>
      %dma_start3A_39 = tpu.memref_squeeze %dma_start3A_38 : memref<1x128xi32, #tpu.memory_space<vmem>> -> memref<128xi32, #tpu.memory_space<vmem>>
      %dma_start3A_40 = arith.constant 0 : i32
      %dma_start3A_41 = arith.constant 0 : i32
      %dma_start3A_42 = tpu.memref_slice %arg3[%dma_start3A_40, %dma_start3A_41] : memref<1000000x64xf32, #tpu.memory_space<hbm>> -> memref<1000000x64xf32, #tpu.memory_space<hbm>>
      tpu.enqueue_indirect_dma source(%dma_start3A_42 : memref<1000000x64xf32, #tpu.memory_space<hbm>>) target(%arg6 : memref<128x64xf32, #tpu.memory_space<vmem>>) offsets(%dma_start3A_39 : memref<128xi32, #tpu.memory_space<vmem>>) semaphore(%arg10 : memref<!tpu.dma_semaphore, #tpu.memory_space<semaphore_mem>>)
      %gt3A_43 = arith.constant 0 : i32
      %gt3A_44 = arith.cmpi sgt, %scan3A_31, %gt3A_43 : i32
      %convert_element_type3A_45 = arith.extui %gt3A_44 : i1 to i32
      %cond3A_46 = arith.constant 0 : i32
      %cond3A_47 = arith.cmpi ne, %convert_element_type3A_45, %cond3A_46 : i32
      scf.if %cond3A_47 {
        %sub3A = arith.constant 1 : i32
        %sub3A_172 = arith.subi %scan3A_31, %sub3A : i32
        %mul3A_173 = arith.constant 4 : i32
        %mul3A_174 = arith.muli %mul3A_173, %sub3A_172 : i32
        %add3A_175 = arith.constant 1 : i32
        %add3A_176 = arith.addi %mul3A_174, %add3A_175 : i32
        %mul3A_177 = arith.constant 128 : i32
        %mul3A_178 = arith.muli %add3A_176, %mul3A_177 : i32
        %add3A_179 = arith.addi %mul3A_2, %mul3A_178 : i32
        %dma_wait3A_180 = arith.constant 0 : i32
        %dma_wait3A_181 = tpu.memref_slice %arg4[%add3A_179, %dma_wait3A_180] : memref<819200x128xf32, #tpu.memory_space<hbm>> -> memref<128x64xf32, #tpu.memory_space<hbm>>
        %dma_wait3A_182 = arith.constant 0 : i32
        %dma_wait3A_183 = tpu.memref_slice %arg4[%add3A_179, %dma_wait3A_182] : memref<819200x128xf32, #tpu.memory_space<hbm>> -> memref<128x64xf32, #tpu.memory_space<hbm>>
        tpu.wait_dma2 semaphore(%arg15 : memref<!tpu.dma_semaphore, #tpu.memory_space<semaphore_mem>>) src(%arg7 : memref<128x64xf32, #tpu.memory_space<vmem>>) dst(%dma_wait3A_183 : memref<128x64xf32, #tpu.memory_space<hbm>>)
      } else {
      }
      %mul3A_48 = arith.constant 4 : i32
      %mul3A_49 = arith.muli %mul3A_48, %scan3A_31 : i32
      %add3A_50 = arith.constant 1 : i32
      %add3A_51 = arith.addi %mul3A_49, %add3A_50 : i32
      %dma_start3A_52 = arith.constant 0 : i32
      %dma_start3A_53 = tpu.memref_slice %arg5[%add3A_51, %dma_start3A_52] : memref<200x128xi32, #tpu.memory_space<vmem>> -> memref<1x128xi32, #tpu.memory_space<vmem>>
      %dma_start3A_54 = tpu.memref_squeeze %dma_start3A_53 : memref<1x128xi32, #tpu.memory_space<vmem>> -> memref<128xi32, #tpu.memory_space<vmem>>
      %dma_start3A_55 = arith.constant 0 : i32
      %dma_start3A_56 = arith.constant 0 : i32
      %dma_start3A_57 = tpu.memref_slice %arg3[%dma_start3A_55, %dma_start3A_56] : memref<1000000x64xf32, #tpu.memory_space<hbm>> -> memref<1000000x64xf32, #tpu.memory_space<hbm>>
      tpu.enqueue_indirect_dma source(%dma_start3A_57 : memref<1000000x64xf32, #tpu.memory_space<hbm>>) target(%arg7 : memref<128x64xf32, #tpu.memory_space<vmem>>) offsets(%dma_start3A_54 : memref<128xi32, #tpu.memory_space<vmem>>) semaphore(%arg11 : memref<!tpu.dma_semaphore, #tpu.memory_space<semaphore_mem>>)
      %gt3A_58 = arith.constant 0 : i32
      %gt3A_59 = arith.cmpi sgt, %scan3A_31, %gt3A_58 : i32
      %convert_element_type3A_60 = arith.extui %gt3A_59 : i1 to i32
      %cond3A_61 = arith.constant 0 : i32
      %cond3A_62 = arith.cmpi ne, %convert_element_type3A_60, %cond3A_61 : i32
      scf.if %cond3A_62 {
        %sub3A = arith.constant 1 : i32
        %sub3A_172 = arith.subi %scan3A_31, %sub3A : i32
        %mul3A_173 = arith.constant 4 : i32
        %mul3A_174 = arith.muli %mul3A_173, %sub3A_172 : i32
        %add3A_175 = arith.constant 2 : i32
        %add3A_176 = arith.addi %mul3A_174, %add3A_175 : i32
        %mul3A_177 = arith.constant 128 : i32
        %mul3A_178 = arith.muli %add3A_176, %mul3A_177 : i32
        %add3A_179 = arith.addi %mul3A_2, %mul3A_178 : i32
        %dma_wait3A_180 = arith.constant 0 : i32
        %dma_wait3A_181 = tpu.memref_slice %arg4[%add3A_179, %dma_wait3A_180] : memref<819200x128xf32, #tpu.memory_space<hbm>> -> memref<128x64xf32, #tpu.memory_space<hbm>>
        %dma_wait3A_182 = arith.constant 0 : i32
        %dma_wait3A_183 = tpu.memref_slice %arg4[%add3A_179, %dma_wait3A_182] : memref<819200x128xf32, #tpu.memory_space<hbm>> -> memref<128x64xf32, #tpu.memory_space<hbm>>
        tpu.wait_dma2 semaphore(%arg16 : memref<!tpu.dma_semaphore, #tpu.memory_space<semaphore_mem>>) src(%arg8 : memref<128x64xf32, #tpu.memory_space<vmem>>) dst(%dma_wait3A_183 : memref<128x64xf32, #tpu.memory_space<hbm>>)
      } else {
      }
      %mul3A_63 = arith.constant 4 : i32
      %mul3A_64 = arith.muli %mul3A_63, %scan3A_31 : i32
      %add3A_65 = arith.constant 2 : i32
      %add3A_66 = arith.addi %mul3A_64, %add3A_65 : i32
      %dma_start3A_67 = arith.constant 0 : i32
      %dma_start3A_68 = tpu.memref_slice %arg5[%add3A_66, %dma_start3A_67] : memref<200x128xi32, #tpu.memory_space<vmem>> -> memref<1x128xi32, #tpu.memory_space<vmem>>
      %dma_start3A_69 = tpu.memref_squeeze %dma_start3A_68 : memref<1x128xi32, #tpu.memory_space<vmem>> -> memref<128xi32, #tpu.memory_space<vmem>>
      %dma_start3A_70 = arith.constant 0 : i32
      %dma_start3A_71 = arith.constant 0 : i32
      %dma_start3A_72 = tpu.memref_slice %arg3[%dma_start3A_70, %dma_start3A_71] : memref<1000000x64xf32, #tpu.memory_space<hbm>> -> memref<1000000x64xf32, #tpu.memory_space<hbm>>
      tpu.enqueue_indirect_dma source(%dma_start3A_72 : memref<1000000x64xf32, #tpu.memory_space<hbm>>) target(%arg8 : memref<128x64xf32, #tpu.memory_space<vmem>>) offsets(%dma_start3A_69 : memref<128xi32, #tpu.memory_space<vmem>>) semaphore(%arg12 : memref<!tpu.dma_semaphore, #tpu.memory_space<semaphore_mem>>)
      %gt3A_73 = arith.constant 0 : i32
      %gt3A_74 = arith.cmpi sgt, %scan3A_31, %gt3A_73 : i32
      %convert_element_type3A_75 = arith.extui %gt3A_74 : i1 to i32
      %cond3A_76 = arith.constant 0 : i32
      %cond3A_77 = arith.cmpi ne, %convert_element_type3A_75, %cond3A_76 : i32
      scf.if %cond3A_77 {
        %sub3A = arith.constant 1 : i32
        %sub3A_172 = arith.subi %scan3A_31, %sub3A : i32
        %mul3A_173 = arith.constant 4 : i32
        %mul3A_174 = arith.muli %mul3A_173, %sub3A_172 : i32
        %add3A_175 = arith.constant 3 : i32
        %add3A_176 = arith.addi %mul3A_174, %add3A_175 : i32
        %mul3A_177 = arith.constant 128 : i32
        %mul3A_178 = arith.muli %add3A_176, %mul3A_177 : i32
        %add3A_179 = arith.addi %mul3A_2, %mul3A_178 : i32
        %dma_wait3A_180 = arith.constant 0 : i32
        %dma_wait3A_181 = tpu.memref_slice %arg4[%add3A_179, %dma_wait3A_180] : memref<819200x128xf32, #tpu.memory_space<hbm>> -> memref<128x64xf32, #tpu.memory_space<hbm>>
        %dma_wait3A_182 = arith.constant 0 : i32
        %dma_wait3A_183 = tpu.memref_slice %arg4[%add3A_179, %dma_wait3A_182] : memref<819200x128xf32, #tpu.memory_space<hbm>> -> memref<128x64xf32, #tpu.memory_space<hbm>>
        tpu.wait_dma2 semaphore(%arg17 : memref<!tpu.dma_semaphore, #tpu.memory_space<semaphore_mem>>) src(%arg9 : memref<128x64xf32, #tpu.memory_space<vmem>>) dst(%dma_wait3A_183 : memref<128x64xf32, #tpu.memory_space<hbm>>)
      } else {
      }
      %mul3A_78 = arith.constant 4 : i32
      %mul3A_79 = arith.muli %mul3A_78, %scan3A_31 : i32
      %add3A_80 = arith.constant 3 : i32
      %add3A_81 = arith.addi %mul3A_79, %add3A_80 : i32
      %dma_start3A_82 = arith.constant 0 : i32
      %dma_start3A_83 = tpu.memref_slice %arg5[%add3A_81, %dma_start3A_82] : memref<200x128xi32, #tpu.memory_space<vmem>> -> memref<1x128xi32, #tpu.memory_space<vmem>>
      %dma_start3A_84 = tpu.memref_squeeze %dma_start3A_83 : memref<1x128xi32, #tpu.memory_space<vmem>> -> memref<128xi32, #tpu.memory_space<vmem>>
      %dma_start3A_85 = arith.constant 0 : i32
      %dma_start3A_86 = arith.constant 0 : i32
      %dma_start3A_87 = tpu.memref_slice %arg3[%dma_start3A_85, %dma_start3A_86] : memref<1000000x64xf32, #tpu.memory_space<hbm>> -> memref<1000000x64xf32, #tpu.memory_space<hbm>>
      tpu.enqueue_indirect_dma source(%dma_start3A_87 : memref<1000000x64xf32, #tpu.memory_space<hbm>>) target(%arg9 : memref<128x64xf32, #tpu.memory_space<vmem>>) offsets(%dma_start3A_84 : memref<128xi32, #tpu.memory_space<vmem>>) semaphore(%arg13 : memref<!tpu.dma_semaphore, #tpu.memory_space<semaphore_mem>>)
      %mul3A_88 = arith.constant 4 : i32
      %mul3A_89 = arith.muli %mul3A_88, %scan3A_31 : i32
      %add3A_90 = arith.constant 0 : i32
      %add3A_91 = arith.addi %mul3A_89, %add3A_90 : i32
      %dma_wait3A_92 = arith.constant 0 : i32
      %dma_wait3A_93 = tpu.memref_slice %arg5[%add3A_91, %dma_wait3A_92] : memref<200x128xi32, #tpu.memory_space<vmem>> -> memref<1x128xi32, #tpu.memory_space<vmem>>
      %dma_wait3A_94 = tpu.memref_squeeze %dma_wait3A_93 : memref<1x128xi32, #tpu.memory_space<vmem>> -> memref<128xi32, #tpu.memory_space<vmem>>
      %dma_wait3A_95 = arith.constant 0 : i32
      %dma_wait3A_96 = arith.constant 0 : i32
      %dma_wait3A_97 = tpu.memref_slice %arg3[%dma_wait3A_95, %dma_wait3A_96] : memref<1000000x64xf32, #tpu.memory_space<hbm>> -> memref<1000000x64xf32, #tpu.memory_space<hbm>>
      tpu.wait_indirect_dma semaphore(%arg10 : memref<!tpu.dma_semaphore, #tpu.memory_space<semaphore_mem>>) src(%dma_wait3A_97 : memref<1000000x64xf32, #tpu.memory_space<hbm>>) dst(%arg6 : memref<128x64xf32, #tpu.memory_space<vmem>>)
      %mul3A_98 = arith.constant 4 : i32
      %mul3A_99 = arith.muli %mul3A_98, %scan3A_31 : i32
      %add3A_100 = arith.constant 0 : i32
      %add3A_101 = arith.addi %mul3A_99, %add3A_100 : i32
      %mul3A_102 = arith.constant 128 : i32
      %mul3A_103 = arith.muli %add3A_101, %mul3A_102 : i32
      %add3A_104 = arith.addi %mul3A_2, %mul3A_103 : i32
      %dma_start3A_105 = arith.constant 0 : i32
      %dma_start3A_106 = tpu.memref_slice %arg4[%add3A_104, %dma_start3A_105] : memref<819200x128xf32, #tpu.memory_space<hbm>> -> memref<128x64xf32, #tpu.memory_space<hbm>>
      %dma_start3A_107 = arith.constant 0 : i32
      %dma_start3A_108 = tpu.memref_slice %arg4[%add3A_104, %dma_start3A_107] : memref<819200x128xf32, #tpu.memory_space<hbm>> -> memref<128x64xf32, #tpu.memory_space<hbm>>
      tpu.enqueue_dma source(%arg6 : memref<128x64xf32, #tpu.memory_space<vmem>>) target(%dma_start3A_108 : memref<128x64xf32, #tpu.memory_space<hbm>>) target_semaphore(%arg14 : memref<!tpu.dma_semaphore, #tpu.memory_space<semaphore_mem>>)
      %mul3A_109 = arith.constant 4 : i32
      %mul3A_110 = arith.muli %mul3A_109, %scan3A_31 : i32
      %add3A_111 = arith.constant 1 : i32
      %add3A_112 = arith.addi %mul3A_110, %add3A_111 : i32
      %dma_wait3A_113 = arith.constant 0 : i32
      %dma_wait3A_114 = tpu.memref_slice %arg5[%add3A_112, %dma_wait3A_113] : memref<200x128xi32, #tpu.memory_space<vmem>> -> memref<1x128xi32, #tpu.memory_space<vmem>>
      %dma_wait3A_115 = tpu.memref_squeeze %dma_wait3A_114 : memref<1x128xi32, #tpu.memory_space<vmem>> -> memref<128xi32, #tpu.memory_space<vmem>>
      %dma_wait3A_116 = arith.constant 0 : i32
      %dma_wait3A_117 = arith.constant 0 : i32
      %dma_wait3A_118 = tpu.memref_slice %arg3[%dma_wait3A_116, %dma_wait3A_117] : memref<1000000x64xf32, #tpu.memory_space<hbm>> -> memref<1000000x64xf32, #tpu.memory_space<hbm>>
      tpu.wait_indirect_dma semaphore(%arg11 : memref<!tpu.dma_semaphore, #tpu.memory_space<semaphore_mem>>) src(%dma_wait3A_118 : memref<1000000x64xf32, #tpu.memory_space<hbm>>) dst(%arg7 : memref<128x64xf32, #tpu.memory_space<vmem>>)
      %mul3A_119 = arith.constant 4 : i32
      %mul3A_120 = arith.muli %mul3A_119, %scan3A_31 : i32
      %add3A_121 = arith.constant 1 : i32
      %add3A_122 = arith.addi %mul3A_120, %add3A_121 : i32
      %mul3A_123 = arith.constant 128 : i32
      %mul3A_124 = arith.muli %add3A_122, %mul3A_123 : i32
      %add3A_125 = arith.addi %mul3A_2, %mul3A_124 : i32
      %dma_start3A_126 = arith.constant 0 : i32
      %dma_start3A_127 = tpu.memref_slice %arg4[%add3A_125, %dma_start3A_126] : memref<819200x128xf32, #tpu.memory_space<hbm>> -> memref<128x64xf32, #tpu.memory_space<hbm>>
      %dma_start3A_128 = arith.constant 0 : i32
      %dma_start3A_129 = tpu.memref_slice %arg4[%add3A_125, %dma_start3A_128] : memref<819200x128xf32, #tpu.memory_space<hbm>> -> memref<128x64xf32, #tpu.memory_space<hbm>>
      tpu.enqueue_dma source(%arg7 : memref<128x64xf32, #tpu.memory_space<vmem>>) target(%dma_start3A_129 : memref<128x64xf32, #tpu.memory_space<hbm>>) target_semaphore(%arg15 : memref<!tpu.dma_semaphore, #tpu.memory_space<semaphore_mem>>)
      %mul3A_130 = arith.constant 4 : i32
      %mul3A_131 = arith.muli %mul3A_130, %scan3A_31 : i32
      %add3A_132 = arith.constant 2 : i32
      %add3A_133 = arith.addi %mul3A_131, %add3A_132 : i32
      %dma_wait3A_134 = arith.constant 0 : i32
      %dma_wait3A_135 = tpu.memref_slice %arg5[%add3A_133, %dma_wait3A_134] : memref<200x128xi32, #tpu.memory_space<vmem>> -> memref<1x128xi32, #tpu.memory_space<vmem>>
      %dma_wait3A_136 = tpu.memref_squeeze %dma_wait3A_135 : memref<1x128xi32, #tpu.memory_space<vmem>> -> memref<128xi32, #tpu.memory_space<vmem>>
      %dma_wait3A_137 = arith.constant 0 : i32
      %dma_wait3A_138 = arith.constant 0 : i32
      %dma_wait3A_139 = tpu.memref_slice %arg3[%dma_wait3A_137, %dma_wait3A_138] : memref<1000000x64xf32, #tpu.memory_space<hbm>> -> memref<1000000x64xf32, #tpu.memory_space<hbm>>
      tpu.wait_indirect_dma semaphore(%arg12 : memref<!tpu.dma_semaphore, #tpu.memory_space<semaphore_mem>>) src(%dma_wait3A_139 : memref<1000000x64xf32, #tpu.memory_space<hbm>>) dst(%arg8 : memref<128x64xf32, #tpu.memory_space<vmem>>)
      %mul3A_140 = arith.constant 4 : i32
      %mul3A_141 = arith.muli %mul3A_140, %scan3A_31 : i32
      %add3A_142 = arith.constant 2 : i32
      %add3A_143 = arith.addi %mul3A_141, %add3A_142 : i32
      %mul3A_144 = arith.constant 128 : i32
      %mul3A_145 = arith.muli %add3A_143, %mul3A_144 : i32
      %add3A_146 = arith.addi %mul3A_2, %mul3A_145 : i32
      %dma_start3A_147 = arith.constant 0 : i32
      %dma_start3A_148 = tpu.memref_slice %arg4[%add3A_146, %dma_start3A_147] : memref<819200x128xf32, #tpu.memory_space<hbm>> -> memref<128x64xf32, #tpu.memory_space<hbm>>
      %dma_start3A_149 = arith.constant 0 : i32
      %dma_start3A_150 = tpu.memref_slice %arg4[%add3A_146, %dma_start3A_149] : memref<819200x128xf32, #tpu.memory_space<hbm>> -> memref<128x64xf32, #tpu.memory_space<hbm>>
      tpu.enqueue_dma source(%arg8 : memref<128x64xf32, #tpu.memory_space<vmem>>) target(%dma_start3A_150 : memref<128x64xf32, #tpu.memory_space<hbm>>) target_semaphore(%arg16 : memref<!tpu.dma_semaphore, #tpu.memory_space<semaphore_mem>>)
      %mul3A_151 = arith.constant 4 : i32
      %mul3A_152 = arith.muli %mul3A_151, %scan3A_31 : i32
      %add3A_153 = arith.constant 3 : i32
      %add3A_154 = arith.addi %mul3A_152, %add3A_153 : i32
      %dma_wait3A_155 = arith.constant 0 : i32
      %dma_wait3A_156 = tpu.memref_slice %arg5[%add3A_154, %dma_wait3A_155] : memref<200x128xi32, #tpu.memory_space<vmem>> -> memref<1x128xi32, #tpu.memory_space<vmem>>
      %dma_wait3A_157 = tpu.memref_squeeze %dma_wait3A_156 : memref<1x128xi32, #tpu.memory_space<vmem>> -> memref<128xi32, #tpu.memory_space<vmem>>
      %dma_wait3A_158 = arith.constant 0 : i32
      %dma_wait3A_159 = arith.constant 0 : i32
      %dma_wait3A_160 = tpu.memref_slice %arg3[%dma_wait3A_158, %dma_wait3A_159] : memref<1000000x64xf32, #tpu.memory_space<hbm>> -> memref<1000000x64xf32, #tpu.memory_space<hbm>>
      tpu.wait_indirect_dma semaphore(%arg13 : memref<!tpu.dma_semaphore, #tpu.memory_space<semaphore_mem>>) src(%dma_wait3A_160 : memref<1000000x64xf32, #tpu.memory_space<hbm>>) dst(%arg9 : memref<128x64xf32, #tpu.memory_space<vmem>>)
      %mul3A_161 = arith.constant 4 : i32
      %mul3A_162 = arith.muli %mul3A_161, %scan3A_31 : i32
      %add3A_163 = arith.constant 3 : i32
      %add3A_164 = arith.addi %mul3A_162, %add3A_163 : i32
      %mul3A_165 = arith.constant 128 : i32
      %mul3A_166 = arith.muli %add3A_164, %mul3A_165 : i32
      %add3A_167 = arith.addi %mul3A_2, %mul3A_166 : i32
      %dma_start3A_168 = arith.constant 0 : i32
      %dma_start3A_169 = tpu.memref_slice %arg4[%add3A_167, %dma_start3A_168] : memref<819200x128xf32, #tpu.memory_space<hbm>> -> memref<128x64xf32, #tpu.memory_space<hbm>>
      %dma_start3A_170 = arith.constant 0 : i32
      %dma_start3A_171 = tpu.memref_slice %arg4[%add3A_167, %dma_start3A_170] : memref<819200x128xf32, #tpu.memory_space<hbm>> -> memref<128x64xf32, #tpu.memory_space<hbm>>
      tpu.enqueue_dma source(%arg9 : memref<128x64xf32, #tpu.memory_space<vmem>>) target(%dma_start3A_171 : memref<128x64xf32, #tpu.memory_space<hbm>>) target_semaphore(%arg17 : memref<!tpu.dma_semaphore, #tpu.memory_space<semaphore_mem>>)
    }
    %scan3A_7 = arith.constant 50 : i32
    %add3A_8 = arith.constant 25088 : i32
    %add3A_9 = arith.addi %mul3A_2, %add3A_8 : i32
    %dma_wait3A = arith.constant 0 : i32
    %dma_wait3A_10 = tpu.memref_slice %arg4[%add3A_9, %dma_wait3A] : memref<819200x128xf32, #tpu.memory_space<hbm>> -> memref<128x64xf32, #tpu.memory_space<hbm>>
    %dma_wait3A_11 = arith.constant 0 : i32
    %dma_wait3A_12 = tpu.memref_slice %arg4[%add3A_9, %dma_wait3A_11] : memref<819200x128xf32, #tpu.memory_space<hbm>> -> memref<128x64xf32, #tpu.memory_space<hbm>>
    tpu.wait_dma2 semaphore(%arg14 : memref<!tpu.dma_semaphore, #tpu.memory_space<semaphore_mem>>) src(%arg6 : memref<128x64xf32, #tpu.memory_space<vmem>>) dst(%dma_wait3A_12 : memref<128x64xf32, #tpu.memory_space<hbm>>)
    %add3A_13 = arith.constant 25216 : i32
    %add3A_14 = arith.addi %mul3A_2, %add3A_13 : i32
    %dma_wait3A_15 = arith.constant 0 : i32
    %dma_wait3A_16 = tpu.memref_slice %arg4[%add3A_14, %dma_wait3A_15] : memref<819200x128xf32, #tpu.memory_space<hbm>> -> memref<128x64xf32, #tpu.memory_space<hbm>>
    %dma_wait3A_17 = arith.constant 0 : i32
    %dma_wait3A_18 = tpu.memref_slice %arg4[%add3A_14, %dma_wait3A_17] : memref<819200x128xf32, #tpu.memory_space<hbm>> -> memref<128x64xf32, #tpu.memory_space<hbm>>
    tpu.wait_dma2 semaphore(%arg15 : memref<!tpu.dma_semaphore, #tpu.memory_space<semaphore_mem>>) src(%arg7 : memref<128x64xf32, #tpu.memory_space<vmem>>) dst(%dma_wait3A_18 : memref<128x64xf32, #tpu.memory_space<hbm>>)
    %add3A_19 = arith.constant 25344 : i32
    %add3A_20 = arith.addi %mul3A_2, %add3A_19 : i32
    %dma_wait3A_21 = arith.constant 0 : i32
    %dma_wait3A_22 = tpu.memref_slice %arg4[%add3A_20, %dma_wait3A_21] : memref<819200x128xf32, #tpu.memory_space<hbm>> -> memref<128x64xf32, #tpu.memory_space<hbm>>
    %dma_wait3A_23 = arith.constant 0 : i32
    %dma_wait3A_24 = tpu.memref_slice %arg4[%add3A_20, %dma_wait3A_23] : memref<819200x128xf32, #tpu.memory_space<hbm>> -> memref<128x64xf32, #tpu.memory_space<hbm>>
    tpu.wait_dma2 semaphore(%arg16 : memref<!tpu.dma_semaphore, #tpu.memory_space<semaphore_mem>>) src(%arg8 : memref<128x64xf32, #tpu.memory_space<vmem>>) dst(%dma_wait3A_24 : memref<128x64xf32, #tpu.memory_space<hbm>>)
    %add3A_25 = arith.constant 25472 : i32
    %add3A_26 = arith.addi %mul3A_2, %add3A_25 : i32
    %dma_wait3A_27 = arith.constant 0 : i32
    %dma_wait3A_28 = tpu.memref_slice %arg4[%add3A_26, %dma_wait3A_27] : memref<819200x128xf32, #tpu.memory_space<hbm>> -> memref<128x64xf32, #tpu.memory_space<hbm>>
    %dma_wait3A_29 = arith.constant 0 : i32
    %dma_wait3A_30 = tpu.memref_slice %arg4[%add3A_26, %dma_wait3A_29] : memref<819200x128xf32, #tpu.memory_space<hbm>> -> memref<128x64xf32, #tpu.memory_space<hbm>>
    tpu.wait_dma2 semaphore(%arg17 : memref<!tpu.dma_semaphore, #tpu.memory_space<semaphore_mem>>) src(%arg9 : memref<128x64xf32, #tpu.memory_space<vmem>>) dst(%dma_wait3A_30 : memref<128x64xf32, #tpu.memory_space<hbm>>)
    return
  }
}

module attributes {stable_mosaic.version = 14 : i64} {
  func.func @_ln_block(%arg0: i32, %arg1: memref<3200x128xf32, #tpu.memory_space<vmem>>, %arg2: memref<3200x64xf32, #tpu.memory_space<vmem>>, %arg3: memref<1x64xf32, #tpu.memory_space<vmem>>, %arg4: memref<1x64xf32, #tpu.memory_space<vmem>>, %arg5: memref<16x200x64xf32, #tpu.memory_space<vmem>>) attributes {dimension_semantics = [#tpu.dimension_semantics<arbitrary>], iteration_bounds = array<i64: 256>, scalar_prefetch = 0 : i64, scratch_operands = 0 : i64, tpu.core_type = #tpu.core_type<tc>, window_params = [{transform_indices = @transform_0, window_bounds = array<i64: 3200, 128>}, {pipeline_mode = #tpu.pipeline_mode<synchronous>, transform_indices = @transform_1, window_bounds = array<i64: 3200, 64>}, {pipeline_mode = #tpu.pipeline_mode<synchronous>, transform_indices = @transform_2, window_bounds = array<i64: 1, 64>}, {pipeline_mode = #tpu.pipeline_mode<synchronous>, transform_indices = @transform_3, window_bounds = array<i64: 1, 64>}, {transform_indices = @transform_4, window_bounds = array<i64: 16, 200, 64>}]} {
    %get3A = arith.constant 0 : index
    %get3A_0 = arith.constant 0 : index
    %get3A_1 = vector.load %arg1[%get3A, %get3A_0] : memref<3200x128xf32, #tpu.memory_space<vmem>>, vector<3200x128xf32>
    %slice3A = vector.extract_strided_slice %get3A_1 {offsets = [0, 0], sizes = [3200, 64], strides = [1, 1]} : vector<3200x128xf32> to vector<3200x64xf32>
    %get3A_2 = arith.constant 0 : index
    %get3A_3 = arith.constant 0 : index
    %get3A_4 = vector.load %arg2[%get3A_2, %get3A_3] : memref<3200x64xf32, #tpu.memory_space<vmem>>, vector<3200x64xf32>
    %add3A = arith.addf %slice3A, %get3A_4 : vector<3200x64xf32>
    %reduce_sum3A = arith.constant dense<0.000000e+00> : vector<3200xf32>
    %reduce_sum3A_5 = vector.multi_reduction <add>, %add3A, %reduce_sum3A [1] : vector<3200x64xf32> to vector<3200xf32>
    %broadcast_in_dim3A = vector.shape_cast %reduce_sum3A_5 : vector<3200xf32> to vector<3200x1xf32>
    %div3A = arith.constant 6.400000e+01 : f32
    %div3A_6 = vector.broadcast %div3A : f32 to vector<3200x1xf32>
    %div3A_7 = arith.divf %broadcast_in_dim3A, %div3A_6 : vector<3200x1xf32>
    %sub3A = vector.broadcast %div3A_7 : vector<3200x1xf32> to vector<3200x64xf32>
    %sub3A_8 = arith.subf %add3A, %sub3A : vector<3200x64xf32>
    %mul3A = arith.mulf %sub3A_8, %sub3A_8 : vector<3200x64xf32>
    %reduce_sum3A_9 = arith.constant dense<0.000000e+00> : vector<3200xf32>
    %reduce_sum3A_10 = vector.multi_reduction <add>, %mul3A, %reduce_sum3A_9 [1] : vector<3200x64xf32> to vector<3200xf32>
    %broadcast_in_dim3A_11 = vector.shape_cast %reduce_sum3A_10 : vector<3200xf32> to vector<3200x1xf32>
    %div3A_12 = arith.constant 6.400000e+01 : f32
    %div3A_13 = vector.broadcast %div3A_12 : f32 to vector<3200x1xf32>
    %div3A_14 = arith.divf %broadcast_in_dim3A_11, %div3A_13 : vector<3200x1xf32>
    %add3A_15 = arith.constant 9.99999974E-6 : f32
    %add3A_16 = vector.broadcast %add3A_15 : f32 to vector<3200x1xf32>
    %add3A_17 = arith.addf %div3A_14, %add3A_16 : vector<3200x1xf32>
    %rsqrt3A = math.rsqrt %add3A_17 : vector<3200x1xf32>
    %mul3A_18 = vector.broadcast %rsqrt3A : vector<3200x1xf32> to vector<3200x64xf32>
    %mul3A_19 = arith.mulf %sub3A_8, %mul3A_18 : vector<3200x64xf32>
    %get3A_20 = arith.constant 0 : index
    %get3A_21 = arith.constant 0 : index
    %get3A_22 = vector.load %arg3[%get3A_20, %get3A_21] : memref<1x64xf32, #tpu.memory_space<vmem>>, vector<1x64xf32>
    %mul3A_23 = vector.broadcast %get3A_22 : vector<1x64xf32> to vector<3200x64xf32>
    %mul3A_24 = arith.mulf %mul3A_19, %mul3A_23 : vector<3200x64xf32>
    %get3A_25 = arith.constant 0 : index
    %get3A_26 = arith.constant 0 : index
    %get3A_27 = vector.load %arg4[%get3A_25, %get3A_26] : memref<1x64xf32, #tpu.memory_space<vmem>>, vector<1x64xf32>
    %add3A_28 = vector.broadcast %get3A_27 : vector<1x64xf32> to vector<3200x64xf32>
    %add3A_29 = arith.addf %mul3A_24, %add3A_28 : vector<3200x64xf32>
    %reshape3A = vector.shape_cast %add3A_29 : vector<3200x64xf32> to vector<16x200x64xf32>
    %swap3A = arith.constant 0 : index
    %swap3A_30 = arith.constant 0 : index
    %swap3A_31 = arith.constant 0 : index
    %swap3A_32 = vector.load %arg5[%swap3A, %swap3A_30, %swap3A_31] : memref<16x200x64xf32, #tpu.memory_space<vmem>>, vector<16x200x64xf32>
    tpu.vector_store %arg5[%swap3A, %swap3A_30, %swap3A_31], %reshape3A {strides = array<i32>} : memref<16x200x64xf32, #tpu.memory_space<vmem>>, vector<16x200x64xf32>,
    return
  }
  func.func @transform_0(%arg0: i32) -> (i32, i32) {
    %c0_i32 = arith.constant 0 : i32
    %c0_i32_0 = arith.constant 0 : i32
    return %arg0, %c0_i32 : i32, i32
  }
  func.func @transform_1(%arg0: i32) -> (i32, i32) {
    %c0_i32 = arith.constant 0 : i32
    %c0_i32_0 = arith.constant 0 : i32
    %c0_i32_1 = arith.constant 0 : i32
    return %c0_i32, %c0_i32_0 : i32, i32
  }
  func.func @transform_2(%arg0: i32) -> (i32, i32) {
    %c0_i32 = arith.constant 0 : i32
    %c0_i32_0 = arith.constant 0 : i32
    %c0_i32_1 = arith.constant 0 : i32
    return %c0_i32, %c0_i32_0 : i32, i32
  }
  func.func @transform_3(%arg0: i32) -> (i32, i32) {
    %c0_i32 = arith.constant 0 : i32
    %c0_i32_0 = arith.constant 0 : i32
    %c0_i32_1 = arith.constant 0 : i32
    return %c0_i32, %c0_i32_0 : i32, i32
  }
  func.func @transform_4(%arg0: i32) -> (i32, i32, i32) {
    %c0_i32 = arith.constant 0 : i32
    %c0_i32_0 = arith.constant 0 : i32
    %c0_i32_1 = arith.constant 0 : i32
    return %arg0, %c0_i32, %c0_i32_0 : i32, i32, i32
  }
}

</mosaic_0001>

<sc_bundles>
// kernel: kernel.4.cloned.1.call-start
scs
__scs_entry_jumppad:
0x0: {  	(pc) =	sbr.rel $0x88, $3  }
0x1: {  	(tag) =	ssettag $0x0;
	lr =	simm.s32 $0x1  }
0x2: {  	[smem:$0x3F9C] =	sst lr;
	_ =	strace $0xD0000000  }
0x3: {  	_ = 	snop  }
0x4: {  	_ = 	snop  }
0x5: {  	_ = 	snop  }
0x6: {  	_ = 	snop  }
0x7: {  	_ = 	snop  }
__scs_overlays_trampoline_lowered:
0x8: {  	[smem:$0x3FAB] =	sst s0  }
0x9: {  	[smem:$0x3FAC] =	sst s1  }
0xa: {  	[smem:$0x3FAD] =	sst s2  }
0xb: {  	[smem:$0x3FAE] =	sst s3  }
0xc: {  	[smem:$0x3FAF] =	sst s4  }
0xd: {  	[smem:$0x3FB0] =	sst s5  }
0xe: {  	[smem:$0x3FB1] =	sst s6  }
0xf: {  	[smem:$0x3FB2] =	sst s7  }
0x10: {  	[smem:$0x3FB3] =	sst s8  }
0x11: {  	[smem:$0x3FB4] =	sst s9;
	s0 =	simm.s32 @!p0 $0x0  }
0x12: {  	s1 =	sld [smem:$0x3F9A];
	s0 =	simm.s32 @p0 $0x1  }
0x13: {  	[smem:$0x3FB5] =	sst s0;
	s0 =	simm.s32 @!p1 $0x0  }
0x14: {  	s2 =	sld [smem:$0x3F99];
	s0 =	simm.s32 @p1 $0x1  }
0x15: {  	[smem:$0x3FB6] =	sst s0;
	s0 =	simm.s32 @!p2 $0x0  }
0x16: {  	s3 =	sld [smem:$0x3FDB];
	s0 =	simm.s32 @p2 $0x1  }
0x17: {  	s4 =	simm.s32 $0x1BF5;
	[smem:$0x3FB8] =	sst s0  }
0x18: {  	s0 =	sld [smem:$0x3F9B];
	_ =	swait.ge [sflag:s4], $0x0  }
0x19: {  	s7 =	sld [smem:$0x3F9C]  }
0x1a: {  	s8 =	sadd.s32 $0xFFFFE003, lr  }
0x1b: {  	s9 =	sadd.s32 $0xFFFFFEF7, lr;
	s5 =	simm.s32 $0xFFFFFFFF;
	p2 =	slt.u32 s8, $0xFFFFF086  }
0x1c: {  	p1 =	slt.u32 s9, $0xF7A;
	s5 =	simm.s32 @!p2 $0x0  }
0x1d: {  	s5 =	simm.s32 @p1 $0x1;
	p0 =	seq.s32 s7, s2  }
0x1e: {  	s7 =	smul.u32 @!p0 $0xF7A, s2;
	p2 =	seq.s32 @!p0 s5, $0x0  }
0x1f: {  	s9 =	smul.u32 $0xF7A, s1;
	s8 =	simm.s32 @!p0 $0x1BF5;
	p2 =	por !p2, p0  }
0x20: {  	[sflag:s8] =	ssyncset.s32 @!p0 $0xFFFFF086;
	s6 =	sadd.s32 @!p0 s3, s7;
	s7 =	simm.s32 @!p0 $0x108  }
0x21: {  	s3 =	sadd.s32 s3, s9;
	s6 =	sadd.s32 @!p0 $0x88, s6;
	s7 =	simm.s32 @p2 $0x1082  }
0x22: {  	[simem:s7], [sflag:s8] =	dma.local @!p0 [hbm:s6], $0xF7A  }
0x23: {  	s9 =	sor.u32 $0xD0000000, s2;
	s6 =	simm.s32 $0x108;
	_ =	swait.ge @!p0 [sflag:s8], $0x0  }
0x24: {  	s3 =	sadd.s32 $0x88, s3;
	s6 =	simm.s32 @!p1 $0x1082;
	[sflag:s4] =	ssyncset.s32 $0xFFFFF086  }
0x25: {  	[simem:s6], [sflag:s4] =	dma.local [hbm:s3], $0xF7A  }
0x26: {  	[smem:$0x3F9C] =	sst s1;
	(tag) =	ssettag s2;
	_ =	strace s9  }
0x27: {  	s1 =	sld [smem:$0x3FAC]  }
0x28: {  	s2 =	sld [smem:$0x3FAD]  }
0x29: {  	s4 =	sld [smem:$0x3FAF]  }
0x2a: {  	p0 =	seq.s32 s5, $0x0;
	s5 =	sld [smem:$0x3FB0]  }
0x2b: {  	s6 =	sld [smem:$0x3FB1]  }
0x2c: {  	s7 =	sld [smem:$0x3FB2]  }
0x2d: {  	s3 =	simm.s32 $0x108;
	s8 =	sld [smem:$0x3FB3]  }
0x2e: {  	s3 =	simm.s32 @!p0 $0x1082;
	s9 =	sld [smem:$0x3FB4]  }
0x2f: {  	lr =	sadd.s32 s0, s3;
	s0 =	sld [smem:$0x3FAB]  }
0x30: {  	s3 =	sld [smem:$0x3FAE]  }
0x31: {  	[smem:$0x3FB7] =	sst s10  }
0x32: {  	s10 =	sld [smem:$0x3FB5];
	_ =	sdelay $0x3  }
0x33: {  	p0 =	seq.s32 s10, $0x1;
	s10 =	sld [smem:$0x3FB7];
	_ =	sdelay $0x3  }
0x34: {  	[smem:$0x3FB7] =	sst s10  }
0x35: {  	s10 =	sld [smem:$0x3FB6];
	_ =	sdelay $0x3  }
0x36: {  	p1 =	seq.s32 s10, $0x1;
	s10 =	sld [smem:$0x3FB7];
	_ =	sdelay $0x3  }
0x37: {  	[smem:$0x3FB7] =	sst s10  }
0x38: {  	s10 =	sld [smem:$0x3FB8]  }
0x39: {  	_ = 	snop;
	(pc) =	sbr.ind lr, $3  }
0x3a: {  	_ = 	snop  }
0x3b: {  	_ = 	snop  }
0x3c: {  	p2 =	seq.s32 s10, $0x1;
	s10 =	sld [smem:$0x3FB7]  }
0x3d: {  	_ =	shalt  }
0x3e: {  	_ =	shalt  }
0x3f: {  	_ =	shalt  }
0x40: {  	_ =	shalt  }
0x41: {  	_ =	shalt  }
0x42: {  	_ =	shalt  }
0x43: {  	_ =	shalt  }
0x44: {  	_ =	shalt  }
0x45: {  	_ =	shalt  }
0x46: {  	_ =	shalt  }
0x47: {  	_ =	shalt  }
0x48: {  	_ =	shalt  }
0x49: {  	_ =	shalt  }
0x4a: {  	_ =	shalt  }
0x4b: {  	_ =	shalt  }
0x4c: {  	_ =	shalt  }
0x4d: {  	_ =	shalt  }
0x4e: {  	_ =	shalt  }
0x4f: {  	_ =	shalt  }
0x50: {  	_ =	shalt  }
0x51: {  	_ =	shalt  }
0x52: {  	_ =	shalt  }
0x53: {  	_ =	shalt  }
0x54: {  	_ =	shalt  }
0x55: {  	_ =	shalt  }
0x56: {  	_ =	shalt  }
0x57: {  	_ =	shalt  }
0x58: {  	_ =	shalt  }
0x59: {  	_ =	shalt  }
0x5a: {  	_ =	shalt  }
0x5b: {  	_ =	shalt  }
0x5c: {  	_ =	shalt  }
0x5d: {  	_ =	shalt  }
0x5e: {  	_ =	shalt  }
0x5f: {  	_ =	shalt  }
0x60: {  	_ =	shalt  }
0x61: {  	_ =	shalt  }
0x62: {  	_ =	shalt  }
0x63: {  	_ =	shalt  }
0x64: {  	_ =	shalt  }
0x65: {  	_ =	shalt  }
0x66: {  	_ =	shalt  }
0x67: {  	_ =	shalt  }
0x68: {  	_ =	shalt  }
0x69: {  	_ =	shalt  }
0x6a: {  	_ =	shalt  }
0x6b: {  	_ =	shalt  }
0x6c: {  	_ =	shalt  }
0x6d: {  	_ =	shalt  }
0x6e: {  	_ =	shalt  }
0x6f: {  	_ =	shalt  }
0x70: {  	_ =	shalt  }
0x71: {  	_ =	shalt  }
0x72: {  	_ =	shalt  }
0x73: {  	_ =	shalt  }
0x74: {  	_ =	shalt  }
0x75: {  	_ =	shalt  }
0x76: {  	_ =	shalt  }
0x77: {  	_ =	shalt  }
0x78: {  	_ =	shalt  }
0x79: {  	_ =	shalt  }
0x7a: {  	_ =	shalt  }
0x7b: {  	_ =	shalt  }
0x7c: {  	_ =	shalt  }
0x7d: {  	_ =	shalt  }
0x7e: {  	_ =	shalt  }
0x7f: {  	_ =	shalt  }
0x80: {  	_ =	shalt  }
0x81: {  	_ =	shalt  }
0x82: {  	_ =	shalt  }
0x83: {  	_ =	shalt  }
0x84: {  	_ =	shalt  }
0x85: {  	_ =	shalt  }
0x86: {  	_ =	shalt  }
0x87: {  	_ =	shalt  }
.Lfunc_end0:
.L_simem_size_0:
called_computation_lowered:
.L_overlay_start_0:
0x88: {  	s2 =	sld [smem:$0x3FD9]  }
0x89: {  	s3 =	sld [smem:$0x3FFE];
	_ =	sdelay $0x1  }
0x8a: {  	s1 =	srdreg.scid  }
0x8b: {  	s0 =	sand.u32 $0x1, s1  }
0x8c: {  	s17 =	sshll.u32 s0, $0xA;
	s2 =	sadd.s32 s3, s2  }
0x8d: {  	s2 =	sadd.s32 s2, s17  }
0x8e: {  	[smem:$0x3FC3] =	sst s2  }
0x8f: {  	_ = 	snop  }
0x90: {  	s2 =	sld [smem:$0x3FD0];
	(tm) =	ssettm $0x1  }
0x91: {  	s18 =	sld [smem:$0x3FFB];
	_ =	sdelay $0x3  }
0x92: {  	_ =	strace s18  }
0x93: {  	s3 =	sld [smem:$0x3FFC];
	_ =	sdelay $0x3  }
0x94: {  	_ =	strace s3  }
0x95: {  	s3 =	sld [smem:$0x3FFD];
	_ =	sdelay $0x3  }
0x96: {  	_ =	strace s3  }
0x97: {  	_ =	strace $0x8FFFFFFF  }
0x98: {  	s19 =	sld [smem:$0x3FDB];
	_ =	sdelay $0x1  }
0x99: {  	s4 =	simm.s32 $_scs_section_size  }
0x9a: {  	s5 =	simm.s32 $_size__tile_overlayer_lowered;
	s6 =	simm.s32 $_tile_overlayer_lowered  }
0x9b: {  	s22 =	simm.s32 $0x1BFF;
	s21 =	sshll.u32 s6, $0x1;
	s3 =	sadd.s32 s4, s19  }
0x9c: {  	s7 =	simm.s32 $0x0;
	s20 =	sshll.u32 s5, $0x1;
	s5 =	sadd.s32 s21, s3  }
0x9d: {  	[timem:s7], [sflag:s22] =	dma.local [hbm:s5], s20  }
0x9e: {  	_ =	swait.ge [sflag:s22], s20  }
0x9f: {  	s4 =	ssub.s32 $0x0, s20;
	[sflag:s22] =	ssyncset.done $0x0  }
0xa0: {  	[sflag:s22] =	ssyncadd.s32 s4;
	_ =	sdelay $0x1  }
0xa1: {  	s23 =	simm.s32 $0x1B8B  }
0xa2: {  	_ =	swait.ge [sflag:s23], $0x1  }
0xa3: {  	[sflag:s23] =	ssyncset.done $0x0  }
0xa4: {  	s25 =	simm.s32 $0x1B8E;
	s24 =	sld [smem:$0x3FFE];
	[sflag:s23] =	ssyncadd.s32 $0xFFFFFFFF  }
0xa5: {  	s26 =	simm.s32 $execute0_lowered;
	[smem:$0x3FD2] =	sst s25  }
0xa6: {  	s5 =	sshll.u32 s26, $0x1;
	_ =	strace $0x80000046;
	[dreg:$0x1] =	wrdreg $0xFFFFFFFF  }
0xa7: {  	s28 =	simm.s32 $_size_execute0_lowered;
	s3 =	sadd.s32 s3, s5;
	[dreg:$0x0] =	wrdreg $0x0  }
0xa8: {  	s5 =	sshll.u32 s28, $0x1;
	[dreg:$0x2] =	wrdreg s3  }
0xa9: {  	[dreg:$0x3] =	wrdreg s5  }
0xaa: {  	[dreg:$0x4] =	wrdreg $0xC0  }
0xab: {  	_ =	task [dreg:s7], $0x5FFFF  }
0xac: {  	[dreg:$0x1] =	wrdreg $0xFFFFFFFF  }
0xad: {  	[dreg:$0x0] =	wrdreg $0x60  }
0xae: {  	[dreg:$0x2] =	wrdreg s2  }
0xaf: {  	[dreg:$0x3] =	wrdreg s24  }
0xb0: {  	[dreg:$0x4] =	wrdreg $0x9  }
0xb1: {  	_ =	task.clear_ibuf [dreg:s7], $0x5FFFF;
	_ =	strace $0x90000046  }
0xb2: {  	s29 =	simm.s32 $0x9;
	_ =	strace $0x80000048  }
0xb3: {  	_ =	swait.ge [sflag:s29], $0x1  }
0xb4: {  	[sflag:s29] =	ssyncadd.s32 $0xFFFFFFFF  }
0xb5: {  	_ =	strace $0x90000048  }
0xb6: {  	_ =	sfence  }
0xb7: {  	s30 =	sld [smem:$0x0];
	_ =	sdelay $0x2  }
0xb8: {  	s31 =	sshll.u32 s1, $0xD;
	s1 =	sshrl.u32 s1, $0x2  }
0xb9: {  	s3 =	sand.u32 $0x4000, s31;
	s1 =	sadd.s32 s1, s30  }
0xba: {  	s0 =	sor.u32 s3, s0;
	s1 =	sshll.u32 s1, $0x11  }
0xbb: {  	s0 =	sor.u32 s1, s0  }
0xbc: {  	s0 =	sadd.s32 $0x8F2B, s0  }
0xbd: {  	[sflag:s0] =	ssyncadd.remote.s32 $0x1  }
0xbe: {  	_ =	sfence.sel $0xFFFF  }
0xbf: {  	[dreg:$0x0] =	wrdreg $0xFFFFFFFF;
	(pc) =	sbr.abs _section_cstart, $3  }
0xc0: {  	[dreg:$0x1] =	wrdreg $0xFFFFFFFF  }
0xc1: {  	_ =	task.clear_ibuf [dreg:s7], $0x2FFFF;
	_ =	strace $0x9FFFFFFF  }
0xc2: {  	(tm) =	ssettm $0x7FFFFFFF  }
0xc3: {  	_ =	shalt  }
tec
execute0_lowered:
.L_overlay_start_1:
0x0: {  	(tag) =	ssettag $0x1  }
0x1: {  	s1 =	srdreg.scid;
	s6 =	rddreg [dreg:$0x0]  }
0x2: {  	s0 =	stileid.u32;
	s5 =	rddreg [dreg:$0x1];
	s30 =	simm.s32 $0x0  }
0x3: {  	s13 =	simm.s32 $0x6400;
	s12 =	simm.s32 $0x1;
	s14 =	simm.s32 $0x8400  }
0x4: {  	s16 =	simm.s32 $0xA400;
	s15 =	simm.s32 $0x3;
	s17 =	simm.s32 $0x5  }
0x5: {  	s18 =	simm.s32 $0x6;
	s19 =	simm.s32 $0x7;
	s20 =	simm.s32 $0x8  }
0x6: {  	s21 =	simm.s32 $0x0;
	s7 =	sand.u32 $0x1, s1;
	s29 =	sshll.u32 s0, $0x1  }
0x7: {  	[smem:$0x7FF] =	sst s30;
	s8 =	smul.u32 $0x640000, s0;
	s4 =	sadd.s32 $0xF42E00, s5  }
0x8: {  	s5 =	sadd.s32 $0xA00, s5;
	s3 =	sor.u32 s7, s29;
	_ =	strace $0x80000047  }
0x9: {  	s9 =	smul.u32 $0x320000, s7;
	s7 =	ssub.s32 $0x2, s7;
	[dreg:$0x3] =	wrdreg s13  }
0xa: {  	s13 =	simm.s32 $0x40;
	[dreg:$0x4] =	wrdreg s14;
	s14 =	simm.s32 $0x2  }
0xb: {  	[dreg:$0x5] =	wrdreg s16;
	s3 =	smul.u32 $0x6400, s3;
	s10 =	sshrl.u32 s7, $0x1  }
0xc: {  	s16 =	simm.s32 $0x4;
	s8 =	sadd.s32 s9, s8;
	s7 =	ssub.s32 s7, s10  }
0xd: {  	s9 =	simm.s32 $0x9;
	s10 =	simm.s32 $0x80;
	s11 =	sshrl.u32 s3, $0x3  }
0xe: {  	s8 =	sshrl.u32 s8, $0x3;
	s7 =	smax.u32 s7, $0x1;
	s31 =	sadd.s32 s6, s11  }
0xf: {  	s8 =	sadd.s32 s8, s5;
	s11 =	simm.s32 $0xC400;
	[dreg:$0x6] =	wrdreg s31  }
.LBB2_1:
0x10: {  	s0 =	simm.s32 $0x0;
	s1 =	rddreg [dreg:$0x6]  }
0x11: {  	[tilespmem:s0], [sflag:$0x9] =	stream.linear.gather [hbm4b:s1+s0], $0x6400, $0x38;
	[tilespmem:$0xE400] =	vst v63  }
0x12: {  	p0 =	por $0x0, $0x0;
	_ =	swait.ge [sflag:s9], $0x6400  }
0x13: {  	p1 =	por p0, p0;
	[sflag:s9] =	ssyncset.done $0x0  }
0x14: {  	s22 =	simm.s32 @p1 $0x5;
	[sflag:s9] =	ssyncadd.s32 $0xFFFF9C00  }
0x15: {  	_ =	swait.ge @p1 [sflag:s22], $0x2000  }
0x16: {  	s23 =	simm.s32 @p1 $0x6400;
	s24 =	simm.s32 @p1 $0x6;
	[sflag:s22] =	ssyncset.done @p1 $0x0  }
0x17: {  	s25 =	simm.s32 @p1 $0x80;
	[sflag:s22] =	ssyncadd.s32 @p1 $0xFFFFE000;
	s22 =	simm.s32 @p1 $0x0  }
0x18: {  	[tilespmem:s23], [sflag:$0x1] =	stream.indirect.gather @p1 [hbm4b:s4+s25], $0x40, s22, s25, $0xb8;
	[tilespmem:$0xE400] =	vst v63  }
0x19: {  	_ =	swait.ge @p1 [sflag:s24], $0x2000  }
0x1a: {  	s22 =	simm.s32 @p1 $0x7;
	[sflag:s24] =	ssyncset.done @p1 $0x0  }
0x1b: {  	s23 =	simm.s32 @p1 $0x80;
	[sflag:s24] =	ssyncadd.s32 @p1 $0xFFFFE000;
	s24 =	simm.s32 @p1 $0x8400  }
0x1c: {  	[tilespmem:s24], [sflag:$0x2] =	stream.indirect.gather @p1 [hbm4b:s4+s25], $0x40, s23, s25, $0xb8;
	[tilespmem:$0xE400] =	vst v63  }
0x1d: {  	_ =	swait.ge @p1 [sflag:s22], $0x2000  }
0x1e: {  	s23 =	simm.s32 $0x100;
	[sflag:s22] =	ssyncset.done @p1 $0x0  }
0x1f: {  	s24 =	simm.s32 @p1 $0x8;
	[sflag:s22] =	ssyncadd.s32 @p1 $0xFFFFE000;
	s22 =	simm.s32 @p1 $0xA400  }
0x20: {  	[tilespmem:s22], [sflag:$0x3] =	stream.indirect.gather @p1 [hbm4b:s4+s25], $0x40, s23, s25, $0xb8;
	[tilespmem:$0xE400] =	vst v63  }
0x21: {  	_ =	swait.ge @p1 [sflag:s24], $0x2000  }
0x22: {  	s22 =	simm.s32 @!p1 $0x6400;
	[sflag:s24] =	ssyncset.done @p1 $0x0  }
0x23: {  	s23 =	simm.s32 @!p1 $0x80;
	[sflag:s24] =	ssyncadd.s32 @p1 $0xFFFFE000;
	s24 =	simm.s32 @!p1 $0x0  }
0x24: {  	[tilespmem:s22], [sflag:$0x1] =	stream.indirect.gather @!p1 [hbm4b:s4+s23], $0x40, s24, s23, $0xb8;
	[tilespmem:$0xE400] =	vst v63  }
0x25: {  	s22 =	simm.s32 @!p1 $0x8400  }
0x26: {  	[tilespmem:s22], [sflag:$0x2] =	stream.indirect.gather @!p1 [hbm4b:s4+s23], $0x40, s23, s23, $0xb8;
	[tilespmem:$0xE400] =	vst v63  }
0x27: {  	s25 =	simm.s32 $0x180;
	s24 =	simm.s32 @!p1 $0xA400;
	s22 =	simm.s32 @!p1 $0x100  }
0x28: {  	[tilespmem:s24], [sflag:$0x3] =	stream.indirect.gather @!p1 [hbm4b:s4+s23], $0x40, s22, s23, $0xb8;
	[tilespmem:$0xE400] =	vst v63  }
0x29: {  	s25 =	simm.s32 @!p1 $0x180;
	s23 =	simm.s32 @p0 $0x80;
	s24 =	simm.s32 @p0 $0x100  }
0x2a: {  	s22 =	simm.s32 $0x380;
	s23 =	simm.s32 @!p0 $0x80;
	s24 =	simm.s32 @!p0 $0x100  }
0x2b: {  	[tilespmem:s11], [sflag:$0x4] =	stream.indirect.gather [hbm4b:s4+s10], $0x40, s25, s10, $0xb8;
	[tilespmem:$0xE400] =	vst v63  }
0x2c: {  	p0 =	por $0x1, $0x1;
	s23 =	sadd.s32 s3, s23;
	s24 =	sadd.s32 s3, s24  }
0x2d: {  	s30 =	simm.s32 @p0 $0x280;
	s25 =	sadd.s32 s3, s25;
	_ =	swait.ge [sflag:s12], $0x2000  }
0x2e: {  	s23 =	sshll.u32 s23, $0x4;
	s24 =	sshll.u32 s24, $0x4;
	s30 =	simm.s32 @!p0 $0x80  }
0x2f: {  	s25 =	sshll.u32 s25, $0x4;
	s26 =	rddreg [dreg:$0x3];
	[sflag:s12] =	ssyncset.done $0x0  }
0x30: {  	s23 =	sand.u32 $0x1FFFE800, s23;
	s28 =	sand.u32 $0x1FFFF000, s24;
	[sflag:s12] =	ssyncadd.s32 $0xFFFFE000  }
0x31: {  	[hbm4b:s8+s13] =	stream.strided.scatter [tilespmem:s26], [sflag:$0x5], $0x2000, s10, s13, $0x38;
	[tilespmem:$0xE400] =	vst v63  }
0x32: {  	s24 =	simm.s32 @p0 $0x300;
	s30 =	sadd.s32 s3, s30;
	_ =	swait.ge [sflag:s14], $0x2000  }
0x33: {  	s24 =	simm.s32 @!p0 $0x100;
	s23 =	sadd.s32 s5, s23;
	[sflag:s14] =	ssyncset.done $0x0  }
0x34: {  	s28 =	sadd.s32 s5, s28;
	s29 =	rddreg [dreg:$0x4];
	[sflag:s14] =	ssyncadd.s32 $0xFFFFE000  }
0x35: {  	[hbm4b:s23+s13] =	stream.strided.scatter [tilespmem:s29], [sflag:$0x6], $0x2000, s10, s13, $0x38;
	[tilespmem:$0xE400] =	vst v63  }
0x36: {  	p0 =	por p0, p0;
	s26 =	simm.s32 $0x580;
	_ =	swait.ge [sflag:s15], $0x2000  }
0x37: {  	s24 =	sadd.s32 s3, s24;
	s23 =	sshll.u32 s30, $0x4;
	[sflag:s15] =	ssyncset.done $0x0  }
0x38: {  	s29 =	sshll.u32 s24, $0x4;
	s31 =	rddreg [dreg:$0x5];
	[sflag:s15] =	ssyncadd.s32 $0xFFFFE000  }
0x39: {  	[hbm4b:s28+s13] =	stream.strided.scatter [tilespmem:s31], [sflag:$0x7], $0x2000, s10, s13, $0x38;
	[tilespmem:$0xE400] =	vst v63  }
0x3a: {  	s24 =	sand.u32 $0x1FFFE800, s23;
	s23 =	sand.u32 $0x1FFFF000, s29;
	_ =	swait.ge [sflag:s16], $0x2000  }
0x3b: {  	s28 =	sand.u32 $0x1FFFF800, s25;
	s25 =	sadd.s32 $0x2000, s8;
	[sflag:s16] =	ssyncset.done $0x0  }
0x3c: {  	s29 =	sadd.s32 s5, s28;
	s28 =	simm.s32 $0x300;
	[sflag:s16] =	ssyncadd.s32 $0xFFFFE000  }
.LBB2_2:
0x3d: {  	[hbm4b:s29+s13] =	stream.strided.scatter [tilespmem:s11], [sflag:$0x8], $0x2000, s10, s13, $0x38;
	[tilespmem:$0xE400] =	vst v63  }
0x3e: {  	s29 =	smov.u32 s26;
	s30 =	simm.s32 @p0 $0x5  }
0x3f: {  	s0 =	simm.s32 @p0 $0x6400;
	s2 =	simm.s32 @p0 $0x6;
	_ =	swait.ge @p0 [sflag:s30], $0x2000  }
0x40: {  	s6 =	simm.s32 @p0 $0x80;
	p2 =	sne.s32 s29, $0x180;
	[sflag:s30] =	ssyncset.done @p0 $0x0  }
0x41: {  	s31 =	sadd.s32 @p2 $0xFFFFFF00, s29;
	[sflag:s30] =	ssyncadd.s32 @p0 $0xFFFFE000;
	s30 =	sadd.s32 @p0 $0xFFFFFF00, s28  }
0x42: {  	[tilespmem:s0], [sflag:$0x1] =	stream.indirect.gather @p0 [hbm4b:s4+s6], $0x40, s30, s6, $0xb8;
	[tilespmem:$0xE400] =	vst v63  }
0x43: {  	s1 =	sadd.s32 @p2 $0xFFFFFF80, s29;
	s31 =	simm.s32 @!p2 $0x80;
	_ =	swait.ge @p0 [sflag:s2], $0x2000  }
0x44: {  	s0 =	sadd.s32 s3, s31;
	s30 =	simm.s32 @p0 $0x7;
	[sflag:s2] =	ssyncset.done @p0 $0x0  }
0x45: {  	s31 =	simm.s32 @p0 $0x8400;
	[sflag:s2] =	ssyncadd.s32 @p0 $0xFFFFE000;
	s2 =	sadd.s32 @p0 $0xFFFFFF80, s28  }
0x46: {  	[tilespmem:s31], [sflag:$0x2] =	stream.indirect.gather @p0 [hbm4b:s4+s6], $0x40, s2, s6, $0xb8;
	[tilespmem:$0xE400] =	vst v63  }
0x47: {  	s1 =	simm.s32 @!p2 $0x100;
	_ =	swait.ge @p0 [sflag:s30], $0x2000  }
0x48: {  	s1 =	sadd.s32 s3, s1;
	[sflag:s30] =	ssyncset.done @p0 $0x0  }
0x49: {  	s2 =	simm.s32 @p0 $0xA400;
	s31 =	simm.s32 @p0 $0x8;
	[sflag:s30] =	ssyncadd.s32 @p0 $0xFFFFE000  }
0x4a: {  	[tilespmem:s2], [sflag:$0x3] =	stream.indirect.gather @p0 [hbm4b:s4+s6], $0x40, s28, s6, $0xb8;
	[tilespmem:$0xE400] =	vst v63  }
0x4b: {  	s1 =	sshll.u32 s1, $0x4;
	_ =	swait.ge @p0 [sflag:s31], $0x2000  }
0x4c: {  	s30 =	sand.u32 $0x1FFFF000, s1;
	s1 =	simm.s32 @!p0 $0x6400;
	[sflag:s31] =	ssyncset.done @p0 $0x0  }
0x4d: {  	s2 =	simm.s32 @!p0 $0x80;
	s6 =	simm.s32 @!p0 $0x0;
	[sflag:s31] =	ssyncadd.s32 @p0 $0xFFFFE000  }
0x4e: {  	[tilespmem:s1], [sflag:$0x1] =	stream.indirect.gather @!p0 [hbm4b:s4+s2], $0x40, s6, s2, $0xb8;
	[tilespmem:$0xE400] =	vst v63  }
0x4f: {  	s1 =	simm.s32 @!p0 $0x8400  }
0x50: {  	[tilespmem:s1], [sflag:$0x2] =	stream.indirect.gather @!p0 [hbm4b:s4+s2], $0x40, s2, s2, $0xb8;
	[tilespmem:$0xE400] =	vst v63  }
0x51: {  	s6 =	simm.s32 @!p0 $0xA400;
	s1 =	simm.s32 @!p0 $0x100  }
0x52: {  	[tilespmem:s6], [sflag:$0x3] =	stream.indirect.gather @!p0 [hbm4b:s4+s2], $0x40, s1, s2, $0xb8;
	[tilespmem:$0xE400] =	vst v63  }
0x53: {  	s1 =	smov.u32 s22  }
0x54: {  	s1 =	simm.s32 @!p0 $0x180  }
0x55: {  	[tilespmem:s11], [sflag:$0x4] =	stream.indirect.gather [hbm4b:s4+s10], $0x40, s1, s10, $0xb8;
	[tilespmem:$0xE400] =	vst v63  }
0x56: {  	_ =	swait.ge [sflag:s12], $0x2000  }
0x57: {  	[sflag:s12] =	ssyncset.done $0x0  }
0x58: {  	s26 =	sadd.s32 $0x200, s26;
	s31 =	rddreg [dreg:$0x3];
	[sflag:s12] =	ssyncadd.s32 $0xFFFFE000  }
0x59: {  	[hbm4b:s25+s13] =	stream.strided.scatter [tilespmem:s31], [sflag:$0x5], $0x2000, s10, s13, $0x38;
	[tilespmem:$0xE400] =	vst v63  }
0x5a: {  	p1 =	sne.s32 s26, $0x6580;
	s0 =	sshll.u32 s0, $0x4;
	_ =	swait.ge [sflag:s14], $0x2000  }
0x5b: {  	s0 =	sand.u32 $0x1FFFE800, s0;
	s28 =	sadd.s32 $0x200, s28;
	[sflag:s14] =	ssyncset.done $0x0  }
0x5c: {  	s31 =	sadd.s32 s5, s24;
	s6 =	rddreg [dreg:$0x4];
	[sflag:s14] =	ssyncadd.s32 $0xFFFFE000  }
0x5d: {  	[hbm4b:s31+s13] =	stream.strided.scatter [tilespmem:s6], [sflag:$0x6], $0x2000, s10, s13, $0x38;
	[tilespmem:$0xE400] =	vst v63  }
0x5e: {  	s22 =	smov.u32 s29;
	s1 =	sadd.s32 s3, s1;
	_ =	swait.ge [sflag:s15], $0x2000  }
0x5f: {  	s1 =	sshll.u32 s1, $0x4;
	s31 =	sadd.s32 s5, s23;
	[sflag:s15] =	ssyncset.done $0x0  }
.Ltmp0:
0x60: {  	s6 =	rddreg [dreg:$0x5];
	[sflag:s15] =	ssyncadd.s32 $0xFFFFE000;
	(pc) =	sbr.rel @p1 .LBB2_2-.Ltmp0, $4  }
0x61: {  	[hbm4b:s31+s13] =	stream.strided.scatter [tilespmem:s6], [sflag:$0x7], $0x2000, s10, s13, $0x38;
	[tilespmem:$0xE400] =	vst v63  }
0x62: {  	p0 =	por p2, p2;
	s1 =	sand.u32 $0x1FFFF800, s1;
	_ =	swait.ge [sflag:s16], $0x2000  }
0x63: {  	s29 =	sadd.s32 s5, s1;
	s24 =	smov.u32 s0;
	[sflag:s16] =	ssyncset.done $0x0  }
0x64: {  	s25 =	sadd.s32 $0x2000, s25;
	s23 =	smov.u32 s30;
	[sflag:s16] =	ssyncadd.s32 $0xFFFFE000  }
0x65: {  	[hbm4b:s29+s13] =	stream.strided.scatter [tilespmem:s11], [sflag:$0x8], $0x2000, s10, s13, $0x38;
	[tilespmem:$0xE400] =	vst v63  }
0x66: {  	s0 =	simm.s32 @p0 $0x5  }
0x67: {  	_ =	swait.ge @p0 [sflag:s0], $0x2000  }
0x68: {  	s1 =	simm.s32 @p0 $0x6400;
	s2 =	simm.s32 @p0 $0x6;
	[sflag:s0] =	ssyncset.done @p0 $0x0  }
0x69: {  	s6 =	simm.s32 @p0 $0x80;
	[sflag:s0] =	ssyncadd.s32 @p0 $0xFFFFE000;
	s0 =	sadd.s32 @p0 $0xFFFFFF00, s28  }
0x6a: {  	[tilespmem:s1], [sflag:$0x1] =	stream.indirect.gather @p0 [hbm4b:s4+s6], $0x40, s0, s6, $0xb8;
	[tilespmem:$0xE400] =	vst v63  }
0x6b: {  	_ =	swait.ge @p0 [sflag:s2], $0x2000  }
0x6c: {  	s0 =	simm.s32 @p0 $0x7;
	[sflag:s2] =	ssyncset.done @p0 $0x0  }
0x6d: {  	s1 =	sadd.s32 @p0 $0xFFFFFF80, s28;
	[sflag:s2] =	ssyncadd.s32 @p0 $0xFFFFE000;
	s2 =	simm.s32 @p0 $0x8400  }
0x6e: {  	[tilespmem:s2], [sflag:$0x2] =	stream.indirect.gather @p0 [hbm4b:s4+s6], $0x40, s1, s6, $0xb8;
	[tilespmem:$0xE400] =	vst v63  }
0x6f: {  	_ =	swait.ge @p0 [sflag:s0], $0x2000  }
0x70: {  	[sflag:s0] =	ssyncset.done @p0 $0x0  }
0x71: {  	s1 =	simm.s32 @p0 $0x8;
	[sflag:s0] =	ssyncadd.s32 @p0 $0xFFFFE000;
	s0 =	simm.s32 @p0 $0xA400  }
0x72: {  	[tilespmem:s0], [sflag:$0x3] =	stream.indirect.gather @p0 [hbm4b:s4+s6], $0x40, s28, s6, $0xb8;
	[tilespmem:$0xE400] =	vst v63  }
0x73: {  	_ =	swait.ge @p0 [sflag:s1], $0x2000  }
0x74: {  	s2 =	simm.s32 @!p0 $0x0;
	[sflag:s1] =	ssyncset.done @p0 $0x0  }
0x75: {  	s0 =	simm.s32 @!p0 $0x6400;
	[sflag:s1] =	ssyncadd.s32 @p0 $0xFFFFE000;
	s1 =	simm.s32 @!p0 $0x80  }
0x76: {  	[tilespmem:s0], [sflag:$0x1] =	stream.indirect.gather @!p0 [hbm4b:s4+s1], $0x40, s2, s1, $0xb8;
	[tilespmem:$0xE400] =	vst v63  }
0x77: {  	s0 =	simm.s32 @!p0 $0x8400  }
0x78: {  	[tilespmem:s0], [sflag:$0x2] =	stream.indirect.gather @!p0 [hbm4b:s4+s1], $0x40, s1, s1, $0xb8;
	[tilespmem:$0xE400] =	vst v63  }
0x79: {  	s2 =	simm.s32 @!p0 $0xA400;
	s0 =	simm.s32 @!p0 $0x100  }
0x7a: {  	[tilespmem:s2], [sflag:$0x3] =	stream.indirect.gather @!p0 [hbm4b:s4+s1], $0x40, s0, s1, $0xb8;
	[tilespmem:$0xE400] =	vst v63  }
0x7b: {  	s22 =	simm.s32 @!p0 $0x180  }
0x7c: {  	[tilespmem:s11], [sflag:$0x4] =	stream.indirect.gather [hbm4b:s4+s10], $0x40, s22, s10, $0xb8;
	[tilespmem:$0xE400] =	vst v63  }
0x7d: {  	_ =	swait.ge [sflag:s12], $0x2000  }
0x7e: {  	[sflag:s12] =	ssyncset.done $0x0  }
0x7f: {  	s6 =	rddreg [dreg:$0x3];
	[sflag:s12] =	ssyncadd.s32 $0xFFFFE000  }
0x80: {  	[hbm4b:s25+s13] =	stream.strided.scatter [tilespmem:s6], [sflag:$0x5], $0x2000, s10, s13, $0x38;
	[tilespmem:$0xE400] =	vst v63  }
0x81: {  	_ =	swait.ge [sflag:s14], $0x2000  }
0x82: {  	[sflag:s14] =	ssyncset.done $0x0  }
0x83: {  	s26 =	sadd.s32 s5, s24;
	s25 =	rddreg [dreg:$0x4];
	[sflag:s14] =	ssyncadd.s32 $0xFFFFE000  }
0x84: {  	[hbm4b:s26+s13] =	stream.strided.scatter [tilespmem:s25], [sflag:$0x6], $0x2000, s10, s13, $0x38;
	[tilespmem:$0xE400] =	vst v63  }
0x85: {  	_ =	swait.ge [sflag:s15], $0x2000  }
0x86: {  	s30 =	sadd.s32 s5, s23;
	[sflag:s15] =	ssyncset.done $0x0  }
0x87: {  	s29 =	sadd.s32 s3, s22;
	s28 =	rddreg [dreg:$0x5];
	[sflag:s15] =	ssyncadd.s32 $0xFFFFE000  }
0x88: {  	[hbm4b:s30+s13] =	stream.strided.scatter [tilespmem:s28], [sflag:$0x7], $0x2000, s10, s13, $0x38;
	[tilespmem:$0xE400] =	vst v63  }
0x89: {  	s31 =	sshll.u32 s29, $0x4;
	_ =	swait.ge [sflag:s16], $0x2000  }
0x8a: {  	s0 =	sand.u32 $0x1FFFF800, s31;
	[sflag:s16] =	ssyncset.done $0x0  }
0x8b: {  	s0 =	sadd.s32 s5, s0;
	[sflag:s16] =	ssyncadd.s32 $0xFFFFE000  }
0x8c: {  	[hbm4b:s0+s13] =	stream.strided.scatter [tilespmem:s11], [sflag:$0x8], $0x2000, s10, s13, $0x38;
	[tilespmem:$0xE400] =	vst v63  }
0x8d: {  	_ =	swait.ge [sflag:s17], $0x2000  }
0x8e: {  	[sflag:s17] =	ssyncset.done $0x0  }
0x8f: {  	[sflag:s17] =	ssyncadd.s32 $0xFFFFE000  }
0x90: {  	_ =	swait.ge [sflag:s18], $0x2000  }
0x91: {  	[sflag:s18] =	ssyncset.done $0x0  }
0x92: {  	s21 =	sadd.s32 $0x1, s21;
	[sflag:s18] =	ssyncadd.s32 $0xFFFFE000  }
0x93: {  	p0 =	sne.s32 s21, s7;
	_ =	swait.ge [sflag:s19], $0x2000  }
.Ltmp1:
0x94: {  	[sflag:s19] =	ssyncset.done $0x0;
	(pc) =	sbr.rel @p0 .LBB2_1-.Ltmp1, $4  }
0x95: {  	[sflag:s19] =	ssyncadd.s32 $0xFFFFE000  }
0x96: {  	_ =	swait.ge [sflag:s20], $0x2000  }
0x97: {  	[sflag:s20] =	ssyncset.done $0x0  }
0x98: {  	[sflag:s20] =	ssyncadd.s32 $0xFFFFE000  }
0x99: {  	_ =	sfence.sel $0x180000  }
0x9a: {  	[bflag:$0x0] =	sbarrier.arrive $0xFFFF  }
0x9b: {  	_ =	strace $0x90000047  }
0x9c: {  	s0 =	stileid.u32;
	[bflag:$0x2] =	sbarrier.arrive $0xFFFF  }
0x9d: {  	p0 =	sne.s32 s0, $0x0;
	s0 =	rddreg [dreg:$0x2]  }
0x9e: {  	s0 =	sadd.s32 @!p0 $0x100000, s0  }
0x9f: {  	[sflag:s0] =	ssyncadd.tile.s32 @!p0 $0x1;
	_ =	shalt  }
.Lfunc_end2:
_tile_overlayer_lowered:
.L_overlay_start_2:
0xa0: {  	(tag) =	ssettag $0x2  }
0xa1: {  	s0 =	rddreg [dreg:$0x0];
	s2 =	stileid.u32  }
0xa2: {  	s1 =	rddreg [dreg:$0x1];
	p0 =	sne.s32 s2, $0x0  }
0xa3: {  	s3 =	rddreg [dreg:$0x2];
	[bflag:$0x3] =	sbarrier.arrive $0xFFFF;
	s2 =	simm.s32 @!p0 $0x1C09  }
0xa4: {  	[timem:s3], [sflag:s2] =	dma.local @!p0 [hbm:s0], s1  }
0xa5: {  	s0 =	simm.s32 @!p0 $0x9  }
0xa6: {  	_ =	swait.ge @!p0 [sflag:s0], s1  }
0xa7: {  	s1 =	ssub.s32 @!p0 $0x0, s1;
	[sflag:s0] =	ssyncset.done @!p0 $0x0  }
0xa8: {  	[sflag:s0] =	ssyncadd.s32 @!p0 s1  }
0xa9: {  	[bflag:$0x3] =	sbarrier.arrive $0xFFFF  }
0xaa: {  	_ =	shalt  }

</sc_bundles>
